<compile_context>
chip_gen: v7x
topology: tpu7x:2x2x1
jax: 0.10.2.dev20260603
libtpu: 0.0.44.dev20260713+nightly
codegen_flags: <defaults>
</compile_context>

<pallas_src>
import functools
import math

import jax
import jax.numpy as jnp
from jax import lax
from jax.experimental import pallas as pl
from jax.experimental.pallas import tpu as pltpu
from jax.experimental.pallas import tpu_sc as plsc

N = 10000
E = 320000
D = 128
H = 128
OUT = 128
EPS = 1e-5

NC = 2
NS = 16
HH = H // NC
EPW = E // NS
K = 80
NCHUNK = EPW // K
NPAIR = NCHUNK // 2
RPT = 624
RPT_LAST = N - (NS - 1) * RPT


def _spmm_sc(wa_halves, row3, col3, zeros_rpt):
  mesh = plsc.VectorSubcoreMesh(core_axis_name="c", subcore_axis_name="s")

  @functools.partial(
      pl.kernel,
      out_type=jax.ShapeDtypeStruct((NC, N, HH), jnp.float32),
      mesh=mesh,
      scratch_types=[
          pltpu.VMEM((NCHUNK, K), jnp.int32),
          pltpu.VMEM((NCHUNK, K), jnp.int32),
          pltpu.VMEM((K, HH), jnp.float32),
          pltpu.VMEM((K, HH), jnp.float32),
          pltpu.VMEM_SHARED((N, HH), jnp.float32),
          pltpu.SemaphoreType.DMA,
          pltpu.SemaphoreType.DMA,
      ],
      compiler_params=pltpu.CompilerParams(use_tc_tiling_on_sc=False),
  )
  def k(wa_hbm, row_hbm, col_hbm, z_hbm, out_hbm,
        colv, rowv, buf0, buf1, acc, g0, g1):
    cid = lax.axis_index("c")
    sid = lax.axis_index("s")
    table = wa_hbm.at[cid]

    pltpu.sync_copy(col_hbm.at[sid], colv)
    pltpu.sync_copy(row_hbm.at[sid], rowv)

    @pl.when(sid < NS - 1)
    def _():
      pltpu.sync_copy(z_hbm.at[pl.ds(0, RPT)], acc.at[pl.ds(sid * RPT, RPT)])

    @pl.when(sid == NS - 1)
    def _():
      pltpu.sync_copy(z_hbm, acc.at[pl.ds(sid * RPT, RPT_LAST)])

    pltpu.async_copy(table.at[colv.at[0]], buf0, g0)
    plsc.subcore_barrier()

    def pair(jj, _):
      c0 = 2 * jj
      pltpu.async_copy(table.at[colv.at[c0 + 1]], buf1, g1)
      pltpu.make_async_copy(table.at[colv.at[c0]], buf0, g0).wait()
      pltpu.sync_copy(buf0, acc.at[rowv.at[c0]], add=True)

      @pl.when(c0 + 2 < NCHUNK)
      def _():
        pltpu.async_copy(table.at[colv.at[c0 + 2]], buf0, g0)

      pltpu.make_async_copy(table.at[colv.at[c0 + 1]], buf1, g1).wait()
      pltpu.sync_copy(buf1, acc.at[rowv.at[c0 + 1]], add=True)
      return 0

    lax.fori_loop(0, NPAIR, pair, 0)

    plsc.subcore_barrier()

    @pl.when(sid < NS - 1)
    def _():
      pltpu.sync_copy(acc.at[pl.ds(sid * RPT, RPT)],
                      out_hbm.at[cid].at[pl.ds(sid * RPT, RPT)])

    @pl.when(sid == NS - 1)
    def _():
      pltpu.sync_copy(acc.at[pl.ds(sid * RPT, RPT_LAST)],
                      out_hbm.at[cid].at[pl.ds(sid * RPT, RPT_LAST)])

  return k(wa_halves, row3, col3, zeros_rpt)


BM = 1000


def _dense_tc(parts, x, wxt, wat, wbt, w1t, w2t,
              bA2, bX2, bW2, b12, b22, g2, be2):
  def body(parts_ref, x_ref, wxt_ref, wat_ref, wbt_ref, w1t_ref, w2t_ref,
           bA_ref, bX_ref, bW_ref, b1_ref, b2_ref, g_ref, be_ref, o_ref):
    f32 = jnp.float32
    xA = jnp.concatenate([parts_ref[0], parts_ref[1]], axis=-1) + bA_ref[0]
    xX = jnp.dot(x_ref[...], wxt_ref[...], preferred_element_type=f32)
    xX = xX + bX_ref[0]
    h = jnp.dot(xA, wat_ref[...], preferred_element_type=f32)
    h = h + jnp.dot(xX, wbt_ref[...], preferred_element_type=f32)
    h = jax.nn.relu(h + bW_ref[0] + xA + xX)
    h1 = jax.nn.relu(jnp.dot(h, w1t_ref[...], preferred_element_type=f32)
                     + b1_ref[0])
    h1 = g_ref[0] * h1 * (1.0 / math.sqrt(1.0 + EPS)) + be_ref[0]
    o_ref[...] = (jnp.dot(h1, w2t_ref[...], preferred_element_type=f32)
                  + b2_ref[0])

  wspec = pl.BlockSpec((H, H), lambda i: (0, 0))
  vspec = pl.BlockSpec((1, H), lambda i: (0, 0))
  return pl.pallas_call(
      body,
      grid=(N // BM,),
      in_specs=[
          pl.BlockSpec((NC, BM, HH), lambda i: (0, i, 0)),
          pl.BlockSpec((BM, D), lambda i: (i, 0)),
          wspec, wspec, wspec, wspec, wspec,
          vspec, vspec, vspec, vspec, vspec, vspec, vspec,
      ],
      out_specs=pl.BlockSpec((BM, OUT), lambda i: (i, 0)),
      out_shape=jax.ShapeDtypeStruct((N, OUT), jnp.float32),
  )(parts, x, wxt, wat, wbt, w1t, w2t, bA2, bX2, bW2, b12, b22, g2, be2)


def kernel(x, edge_index, WA, bA, WX, bX, W, bW, W1, b1, gamma, beta, W2, b2):
  row = edge_index[0].astype(jnp.int32)
  col = edge_index[1].astype(jnp.int32)
  row = row - jnp.min(row)
  row3 = row.reshape(NS, NCHUNK, K)
  col3 = col.reshape(NS, NCHUNK, K)
  wa_halves = WA.reshape(NC, HH, N).transpose(0, 2, 1)
  zeros_rpt = jnp.zeros((RPT_LAST, HH), jnp.float32)

  parts = _spmm_sc(wa_halves, row3, col3, zeros_rpt)

  wt = W.T
  return _dense_tc(
      parts, x, WX.T, wt[:H], wt[H:], W1.T, W2.T,
      bA.reshape(1, H), bX.reshape(1, H), bW.reshape(1, H),
      b1.reshape(1, H), b2.reshape(1, OUT),
      gamma.reshape(1, H), beta.reshape(1, H))

# --- scband reference (transcript-rebuilt; emitter-appended) ---
"""Pipeline reference for scband-linkx-23596550324872 (READ-ONLY COPY).

The authoritative reference and input builder live on the scoring server;
editing this copy changes nothing except your own understanding.
"""

import jax, jax.numpy as jnp
import numpy as np

N = 10000   # num_nodes
E = 320000  # num_edges
D = 128     # in_channels
H = 128     # hidden_channels
OUT = 128   # out_channels
EPS = 1e-5


def setup_inputs(seed: int = 0) -> dict:
    key = jax.random.key(seed)
    ks = jax.random.split(key, 16)
    x = jax.random.normal(ks[0], (N, D), dtype=jnp.float32)
    edge_index = jax.random.randint(ks[1], (2, E), 0, N)
    # mlpA: Linear(num_nodes -> hidden)
    WA = jax.random.normal(ks[2], (H, N), dtype=jnp.float32) * (1.0 / np.sqrt(N))
    bA = jax.random.normal(ks[3], (H,), dtype=jnp.float32) * 0.01
    # mlpX: Linear(in_channels -> hidden)
    WX = jax.random.normal(ks[4], (H, D), dtype=jnp.float32) * (1.0 / np.sqrt(D))
    bX = jax.random.normal(ks[5], (H,), dtype=jnp.float32) * 0.01
    # W: Linear(2*hidden -> hidden)
    W = jax.random.normal(ks[6], (H, 2 * H), dtype=jnp.float32) * (1.0 / np.sqrt(2 * H))
    bW = jax.random.normal(ks[7], (H,), dtype=jnp.float32) * 0.01
    # mlp_final layer 1: Linear(hidden -> hidden) + BatchNorm1d(hidden)
    W1 = jax.random.normal(ks[8], (H, H), dtype=jnp.float32) * (1.0 / np.sqrt(H))
    b1 = jax.random.normal(ks[9], (H,), dtype=jnp.float32) * 0.01
    gamma = jnp.ones((H,), dtype=jnp.float32)
    beta = jnp.zeros((H,), dtype=jnp.float32)
    # mlp_final layer 2: Linear(hidden -> out)
    W2 = jax.random.normal(ks[10], (OUT, H), dtype=jnp.float32) * (1.0 / np.sqrt(H))
    b2 = jax.random.normal(ks[11], (OUT,), dtype=jnp.float32) * 0.01
    return {"x": x, "edge_index": edge_index, "WA": WA, "bA": bA, "WX": WX,
            "bX": bX, "W": W, "bW": bW, "W1": W1, "b1": b1,
            "gamma": gamma, "beta": beta, "W2": W2, "b2": b2}


def reference(x, edge_index, WA, bA, WX, bX, W, bW, W1, b1, gamma, beta, W2, b2):
    # LINKX forward (eval mode: dropout off, BN uses running stats mean=0, var=1)
    row = edge_index[0]
    col = edge_index[1]
    row = row - jnp.min(row)
    # xA = mlpA(A) = A @ WA.T + bA, where A is the sparse (N,N) adjacency.
    # Row i of (A @ WA.T) = sum over edges (i, j) of WA.T[j]  -> gather + scatter-add.
    WA_T = WA.T  # (N, H)
    gathered = jnp.take(WA_T, col, axis=0)  # (E, H)
    xA = jax.ops.segment_sum(gathered, row, num_segments=N) + bA
    # xX = mlpX(x)
    xX = x @ WX.T + bX
    # x = W([xA, xX]); skip connections; relu
    xcat = jnp.concatenate([xA, xX], axis=-1)
    h = xcat @ W.T + bW
    h = jax.nn.relu(h + xA + xX)
    # mlp_final (2 layers): Linear -> ReLU -> BatchNorm1d (eval) -> Linear
    h1 = jax.nn.relu(h @ W1.T + b1)
    h1 = gamma * h1 / jnp.sqrt(1.0 + EPS) + beta
    out = h1 @ W2.T + b2
    return out

if __name__ == "__main__":
    import jax
    _d = setup_inputs()
    print(jax.jit(kernel)(*tuple(_d.values())))

</pallas_src>

<mosaic_0001>
#map = affine_map<(d0, d1) -> (0, 0, 0)>
#map1 = affine_map<(d0, d1) -> (0, 0)>
module attributes {stable_mosaic.version = 14 : i64} {
  func.func @k(%arg0: i32, %arg1: i32, %arg2: memref<2x10000x64xf32, #tpu.memory_space<hbm>>, %arg3: memref<16x250x80xi32, #tpu.memory_space<hbm>>, %arg4: memref<16x250x80xi32, #tpu.memory_space<hbm>>, %arg5: memref<640x64xf32, #tpu.memory_space<hbm>>, %arg6: memref<2x10000x64xf32, #tpu.memory_space<hbm>>, %arg7: memref<250x80xi32, #tpu.memory_space<vmem>>, %arg8: memref<250x80xi32, #tpu.memory_space<vmem>>, %arg9: memref<80x64xf32, #tpu.memory_space<vmem>>, %arg10: memref<80x64xf32, #tpu.memory_space<vmem>>, %arg11: memref<10000x64xf32, #tpu.memory_space<vmem_shared>>, %arg12: memref<!tpu.dma_semaphore, #tpu.memory_space<semaphore_mem>>, %arg13: memref<!tpu.dma_semaphore, #tpu.memory_space<semaphore_mem>>) attributes {dimension_semantics = [#tpu.dimension_semantics<core_parallel>, #tpu.dimension_semantics<subcore_parallel>], iteration_bounds = array<i64: 2, 16>, scalar_prefetch = 0 : i64, scratch_operands = 7 : i64, tpu.core_type = #tpu.core_type<sc_vector_subcore>, window_params = [{transform_indices = #map}, {transform_indices = #map}, {transform_indices = #map}, {transform_indices = #map1}, {transform_indices = #map}]} {
    "tpu.region"() ({
      %run_scoped3A = tpu.sem_alloc : memref<!tpu.dma_semaphore, #tpu.memory_space<semaphore_mem>>
      %dma_start3A_33 = arith.constant 0 : i32
      %dma_start3A_34 = arith.constant 0 : i32
      %dma_start3A_35 = tpu.memref_slice %arg4[%arg1, %dma_start3A_33, %dma_start3A_34] : memref<16x250x80xi32, #tpu.memory_space<hbm>> -> memref<1x250x80xi32, #tpu.memory_space<hbm>>
      %dma_start3A_36 = tpu.memref_squeeze %dma_start3A_35 : memref<1x250x80xi32, #tpu.memory_space<hbm>> -> memref<250x80xi32, #tpu.memory_space<hbm>>
      %dma_start3A_37 = arith.constant 0 : i32
      %dma_start3A_38 = arith.constant 0 : i32
      %dma_start3A_39 = tpu.memref_slice %arg4[%arg1, %dma_start3A_37, %dma_start3A_38] : memref<16x250x80xi32, #tpu.memory_space<hbm>> -> memref<1x250x80xi32, #tpu.memory_space<hbm>>
      %dma_start3A_40 = tpu.memref_squeeze %dma_start3A_39 : memref<1x250x80xi32, #tpu.memory_space<hbm>> -> memref<250x80xi32, #tpu.memory_space<hbm>>
      tpu.enqueue_dma source(%dma_start3A_40 : memref<250x80xi32, #tpu.memory_space<hbm>>) target(%arg7 : memref<250x80xi32, #tpu.memory_space<vmem>>) target_semaphore(%run_scoped3A : memref<!tpu.dma_semaphore, #tpu.memory_space<semaphore_mem>>)
      %dma_wait3A = arith.constant 0 : i32
      %dma_wait3A_41 = arith.constant 0 : i32
      %dma_wait3A_42 = tpu.memref_slice %arg4[%arg1, %dma_wait3A, %dma_wait3A_41] : memref<16x250x80xi32, #tpu.memory_space<hbm>> -> memref<1x250x80xi32, #tpu.memory_space<hbm>>
      %dma_wait3A_43 = tpu.memref_squeeze %dma_wait3A_42 : memref<1x250x80xi32, #tpu.memory_space<hbm>> -> memref<250x80xi32, #tpu.memory_space<hbm>>
      %dma_wait3A_44 = arith.constant 0 : i32
      %dma_wait3A_45 = arith.constant 0 : i32
      %dma_wait3A_46 = tpu.memref_slice %arg4[%arg1, %dma_wait3A_44, %dma_wait3A_45] : memref<16x250x80xi32, #tpu.memory_space<hbm>> -> memref<1x250x80xi32, #tpu.memory_space<hbm>>
      %dma_wait3A_47 = tpu.memref_squeeze %dma_wait3A_46 : memref<1x250x80xi32, #tpu.memory_space<hbm>> -> memref<250x80xi32, #tpu.memory_space<hbm>>
      tpu.wait_dma2 semaphore(%run_scoped3A : memref<!tpu.dma_semaphore, #tpu.memory_space<semaphore_mem>>) src(%dma_wait3A_47 : memref<250x80xi32, #tpu.memory_space<hbm>>) dst(%arg7 : memref<250x80xi32, #tpu.memory_space<vmem>>)
      tpu.yield
    }) : () -> ()
    "tpu.region"() ({
      %run_scoped3A = tpu.sem_alloc : memref<!tpu.dma_semaphore, #tpu.memory_space<semaphore_mem>>
      %dma_start3A_33 = arith.constant 0 : i32
      %dma_start3A_34 = arith.constant 0 : i32
      %dma_start3A_35 = tpu.memref_slice %arg3[%arg1, %dma_start3A_33, %dma_start3A_34] : memref<16x250x80xi32, #tpu.memory_space<hbm>> -> memref<1x250x80xi32, #tpu.memory_space<hbm>>
      %dma_start3A_36 = tpu.memref_squeeze %dma_start3A_35 : memref<1x250x80xi32, #tpu.memory_space<hbm>> -> memref<250x80xi32, #tpu.memory_space<hbm>>
      %dma_start3A_37 = arith.constant 0 : i32
      %dma_start3A_38 = arith.constant 0 : i32
      %dma_start3A_39 = tpu.memref_slice %arg3[%arg1, %dma_start3A_37, %dma_start3A_38] : memref<16x250x80xi32, #tpu.memory_space<hbm>> -> memref<1x250x80xi32, #tpu.memory_space<hbm>>
      %dma_start3A_40 = tpu.memref_squeeze %dma_start3A_39 : memref<1x250x80xi32, #tpu.memory_space<hbm>> -> memref<250x80xi32, #tpu.memory_space<hbm>>
      tpu.enqueue_dma source(%dma_start3A_40 : memref<250x80xi32, #tpu.memory_space<hbm>>) target(%arg8 : memref<250x80xi32, #tpu.memory_space<vmem>>) target_semaphore(%run_scoped3A : memref<!tpu.dma_semaphore, #tpu.memory_space<semaphore_mem>>)
      %dma_wait3A = arith.constant 0 : i32
      %dma_wait3A_41 = arith.constant 0 : i32
      %dma_wait3A_42 = tpu.memref_slice %arg3[%arg1, %dma_wait3A, %dma_wait3A_41] : memref<16x250x80xi32, #tpu.memory_space<hbm>> -> memref<1x250x80xi32, #tpu.memory_space<hbm>>
      %dma_wait3A_43 = tpu.memref_squeeze %dma_wait3A_42 : memref<1x250x80xi32, #tpu.memory_space<hbm>> -> memref<250x80xi32, #tpu.memory_space<hbm>>
      %dma_wait3A_44 = arith.constant 0 : i32
      %dma_wait3A_45 = arith.constant 0 : i32
      %dma_wait3A_46 = tpu.memref_slice %arg3[%arg1, %dma_wait3A_44, %dma_wait3A_45] : memref<16x250x80xi32, #tpu.memory_space<hbm>> -> memref<1x250x80xi32, #tpu.memory_space<hbm>>
      %dma_wait3A_47 = tpu.memref_squeeze %dma_wait3A_46 : memref<1x250x80xi32, #tpu.memory_space<hbm>> -> memref<250x80xi32, #tpu.memory_space<hbm>>
      tpu.wait_dma2 semaphore(%run_scoped3A : memref<!tpu.dma_semaphore, #tpu.memory_space<semaphore_mem>>) src(%dma_wait3A_47 : memref<250x80xi32, #tpu.memory_space<hbm>>) dst(%arg8 : memref<250x80xi32, #tpu.memory_space<vmem>>)
      tpu.yield
    }) : () -> ()
    %lt3A = arith.constant 15 : i32
    %lt3A_0 = arith.cmpi slt, %arg1, %lt3A : i32
    %convert_element_type3A = arith.extui %lt3A_0 : i1 to i32
    %cond3A = arith.constant 0 : i32
    %cond3A_1 = arith.cmpi ne, %convert_element_type3A, %cond3A : i32
    scf.if %cond3A_1 {
      %mul3A = arith.constant 624 : i32
      %mul3A_33 = arith.muli %arg1, %mul3A : i32
      "tpu.region"() ({
        %run_scoped3A = tpu.sem_alloc : memref<!tpu.dma_semaphore, #tpu.memory_space<semaphore_mem>>
        %dma_start3A_34 = arith.constant 0 : i32
        %dma_start3A_35 = tpu.memref_slice %arg11[%mul3A_33, %dma_start3A_34] : memref<10000x64xf32, #tpu.memory_space<vmem_shared>> -> memref<624x64xf32, #tpu.memory_space<vmem_shared>>
        %dma_start3A_36 = arith.constant 0 : i32
        %dma_start3A_37 = arith.constant 0 : i32
        %dma_start3A_38 = tpu.memref_slice %arg5[%dma_start3A_36, %dma_start3A_37] : memref<640x64xf32, #tpu.memory_space<hbm>> -> memref<624x64xf32, #tpu.memory_space<hbm>>
        tpu.enqueue_dma source(%dma_start3A_38 : memref<624x64xf32, #tpu.memory_space<hbm>>) target(%dma_start3A_35 : memref<624x64xf32, #tpu.memory_space<vmem_shared>>) target_semaphore(%run_scoped3A : memref<!tpu.dma_semaphore, #tpu.memory_space<semaphore_mem>>)
        %dma_wait3A = arith.constant 0 : i32
        %dma_wait3A_39 = tpu.memref_slice %arg11[%mul3A_33, %dma_wait3A] : memref<10000x64xf32, #tpu.memory_space<vmem_shared>> -> memref<624x64xf32, #tpu.memory_space<vmem_shared>>
        %dma_wait3A_40 = arith.constant 0 : i32
        %dma_wait3A_41 = arith.constant 0 : i32
        %dma_wait3A_42 = tpu.memref_slice %arg5[%dma_wait3A_40, %dma_wait3A_41] : memref<640x64xf32, #tpu.memory_space<hbm>> -> memref<624x64xf32, #tpu.memory_space<hbm>>
        tpu.wait_dma2 semaphore(%run_scoped3A : memref<!tpu.dma_semaphore, #tpu.memory_space<semaphore_mem>>) src(%dma_wait3A_42 : memref<624x64xf32, #tpu.memory_space<hbm>>) dst(%dma_wait3A_39 : memref<624x64xf32, #tpu.memory_space<vmem_shared>>)
        tpu.yield
      }) : () -> ()
    } else {
    }
    %eq3A = arith.constant 15 : i32
    %eq3A_2 = arith.cmpi eq, %arg1, %eq3A : i32
    %convert_element_type3A_3 = arith.extui %eq3A_2 : i1 to i32
    %cond3A_4 = arith.constant 0 : i32
    %cond3A_5 = arith.cmpi ne, %convert_element_type3A_3, %cond3A_4 : i32
    scf.if %cond3A_5 {
      %mul3A = arith.constant 624 : i32
      %mul3A_33 = arith.muli %arg1, %mul3A : i32
      "tpu.region"() ({
        %run_scoped3A = tpu.sem_alloc : memref<!tpu.dma_semaphore, #tpu.memory_space<semaphore_mem>>
        %dma_start3A_34 = arith.constant 0 : i32
        %dma_start3A_35 = tpu.memref_slice %arg11[%mul3A_33, %dma_start3A_34] : memref<10000x64xf32, #tpu.memory_space<vmem_shared>> -> memref<640x64xf32, #tpu.memory_space<vmem_shared>>
        tpu.enqueue_dma source(%arg5 : memref<640x64xf32, #tpu.memory_space<hbm>>) target(%dma_start3A_35 : memref<640x64xf32, #tpu.memory_space<vmem_shared>>) target_semaphore(%run_scoped3A : memref<!tpu.dma_semaphore, #tpu.memory_space<semaphore_mem>>)
        %dma_wait3A = arith.constant 0 : i32
        %dma_wait3A_36 = tpu.memref_slice %arg11[%mul3A_33, %dma_wait3A] : memref<10000x64xf32, #tpu.memory_space<vmem_shared>> -> memref<640x64xf32, #tpu.memory_space<vmem_shared>>
        tpu.wait_dma2 semaphore(%run_scoped3A : memref<!tpu.dma_semaphore, #tpu.memory_space<semaphore_mem>>) src(%arg5 : memref<640x64xf32, #tpu.memory_space<hbm>>) dst(%dma_wait3A_36 : memref<640x64xf32, #tpu.memory_space<vmem_shared>>)
        tpu.yield
      }) : () -> ()
    } else {
    }
    %dma_start3A = arith.constant 0 : i32
    %dma_start3A_6 = arith.constant 0 : i32
    %dma_start3A_7 = tpu.memref_slice %arg7[%dma_start3A, %dma_start3A_6] : memref<250x80xi32, #tpu.memory_space<vmem>> -> memref<1x80xi32, #tpu.memory_space<vmem>>
    %dma_start3A_8 = tpu.memref_squeeze %dma_start3A_7 : memref<1x80xi32, #tpu.memory_space<vmem>> -> memref<80xi32, #tpu.memory_space<vmem>>
    %dma_start3A_9 = arith.constant 0 : i32
    %dma_start3A_10 = arith.constant 0 : i32
    %dma_start3A_11 = tpu.memref_slice %arg2[%arg0, %dma_start3A_9, %dma_start3A_10] : memref<2x10000x64xf32, #tpu.memory_space<hbm>> -> memref<1x10000x64xf32, #tpu.memory_space<hbm>>
    %dma_start3A_12 = tpu.memref_squeeze %dma_start3A_11 : memref<1x10000x64xf32, #tpu.memory_space<hbm>> -> memref<10000x64xf32, #tpu.memory_space<hbm>>
    %dma_start3A_13 = arith.constant 0 : i32
    %dma_start3A_14 = arith.constant 0 : i32
    %dma_start3A_15 = tpu.memref_slice %dma_start3A_12[%dma_start3A_13, %dma_start3A_14] : memref<10000x64xf32, #tpu.memory_space<hbm>> -> memref<10000x64xf32, #tpu.memory_space<hbm>>
    tpu.enqueue_indirect_dma source(%dma_start3A_15 : memref<10000x64xf32, #tpu.memory_space<hbm>>) target(%arg9 : memref<80x64xf32, #tpu.memory_space<vmem>>) offsets(%dma_start3A_8 : memref<80xi32, #tpu.memory_space<vmem>>) semaphore(%arg12 : memref<!tpu.dma_semaphore, #tpu.memory_space<semaphore_mem>>)
    %barrier3A = arith.constant 0 : index
    tpu.barrier barrier_id(%barrier3A)
    %scan3A = arith.constant 0 : i32
    %scan3A_16 = arith.constant 0 : i32
    %scan3A_17 = arith.constant 125 : i32
    %scan3A_18 = arith.addi %scan3A_16, %scan3A_17 : i32
    %scan3A_19 = arith.constant 1 : i32
    %scan3A_20 = scf.for %scan3A_33 = %scan3A_16 to %scan3A_18 step %scan3A_19 iter_args(%scan3A_34 = %scan3A) -> (i32)  : i32 {
      %mul3A = arith.constant 2 : i32
      %mul3A_35 = arith.muli %mul3A, %scan3A_33 : i32
      %add3A = arith.constant 1 : i32
      %add3A_36 = arith.addi %mul3A_35, %add3A : i32
      %dma_start3A_37 = arith.constant 0 : i32
      %dma_start3A_38 = tpu.memref_slice %arg7[%add3A_36, %dma_start3A_37] : memref<250x80xi32, #tpu.memory_space<vmem>> -> memref<1x80xi32, #tpu.memory_space<vmem>>
      %dma_start3A_39 = tpu.memref_squeeze %dma_start3A_38 : memref<1x80xi32, #tpu.memory_space<vmem>> -> memref<80xi32, #tpu.memory_space<vmem>>
      %dma_start3A_40 = arith.constant 0 : i32
      %dma_start3A_41 = arith.constant 0 : i32
      %dma_start3A_42 = tpu.memref_slice %arg2[%arg0, %dma_start3A_40, %dma_start3A_41] : memref<2x10000x64xf32, #tpu.memory_space<hbm>> -> memref<1x10000x64xf32, #tpu.memory_space<hbm>>
      %dma_start3A_43 = tpu.memref_squeeze %dma_start3A_42 : memref<1x10000x64xf32, #tpu.memory_space<hbm>> -> memref<10000x64xf32, #tpu.memory_space<hbm>>
      %dma_start3A_44 = arith.constant 0 : i32
      %dma_start3A_45 = arith.constant 0 : i32
      %dma_start3A_46 = tpu.memref_slice %dma_start3A_43[%dma_start3A_44, %dma_start3A_45] : memref<10000x64xf32, #tpu.memory_space<hbm>> -> memref<10000x64xf32, #tpu.memory_space<hbm>>
      tpu.enqueue_indirect_dma source(%dma_start3A_46 : memref<10000x64xf32, #tpu.memory_space<hbm>>) target(%arg10 : memref<80x64xf32, #tpu.memory_space<vmem>>) offsets(%dma_start3A_39 : memref<80xi32, #tpu.memory_space<vmem>>) semaphore(%arg13 : memref<!tpu.dma_semaphore, #tpu.memory_space<semaphore_mem>>)
      %dma_wait3A = arith.constant 0 : i32
      %dma_wait3A_47 = tpu.memref_slice %arg7[%mul3A_35, %dma_wait3A] : memref<250x80xi32, #tpu.memory_space<vmem>> -> memref<1x80xi32, #tpu.memory_space<vmem>>
      %dma_wait3A_48 = tpu.memref_squeeze %dma_wait3A_47 : memref<1x80xi32, #tpu.memory_space<vmem>> -> memref<80xi32, #tpu.memory_space<vmem>>
      %dma_wait3A_49 = arith.constant 0 : i32
      %dma_wait3A_50 = arith.constant 0 : i32
      %dma_wait3A_51 = tpu.memref_slice %arg2[%arg0, %dma_wait3A_49, %dma_wait3A_50] : memref<2x10000x64xf32, #tpu.memory_space<hbm>> -> memref<1x10000x64xf32, #tpu.memory_space<hbm>>
      %dma_wait3A_52 = tpu.memref_squeeze %dma_wait3A_51 : memref<1x10000x64xf32, #tpu.memory_space<hbm>> -> memref<10000x64xf32, #tpu.memory_space<hbm>>
      %dma_wait3A_53 = arith.constant 0 : i32
      %dma_wait3A_54 = arith.constant 0 : i32
      %dma_wait3A_55 = tpu.memref_slice %dma_wait3A_52[%dma_wait3A_53, %dma_wait3A_54] : memref<10000x64xf32, #tpu.memory_space<hbm>> -> memref<10000x64xf32, #tpu.memory_space<hbm>>
      tpu.wait_indirect_dma semaphore(%arg12 : memref<!tpu.dma_semaphore, #tpu.memory_space<semaphore_mem>>) src(%dma_wait3A_55 : memref<10000x64xf32, #tpu.memory_space<hbm>>) dst(%arg9 : memref<80x64xf32, #tpu.memory_space<vmem>>)
      "tpu.region"() ({
        %run_scoped3A = tpu.sem_alloc : memref<!tpu.dma_semaphore, #tpu.memory_space<semaphore_mem>>
        %dma_start3A_78 = arith.constant 0 : i32
        %dma_start3A_79 = tpu.memref_slice %arg8[%mul3A_35, %dma_start3A_78] : memref<250x80xi32, #tpu.memory_space<vmem>> -> memref<1x80xi32, #tpu.memory_space<vmem>>
        %dma_start3A_80 = tpu.memref_squeeze %dma_start3A_79 : memref<1x80xi32, #tpu.memory_space<vmem>> -> memref<80xi32, #tpu.memory_space<vmem>>
        %dma_start3A_81 = arith.constant 0 : i32
        %dma_start3A_82 = arith.constant 0 : i32
        %dma_start3A_83 = tpu.memref_slice %arg11[%dma_start3A_81, %dma_start3A_82] : memref<10000x64xf32, #tpu.memory_space<vmem_shared>> -> memref<10000x64xf32, #tpu.memory_space<vmem_shared>>
        tpu.enqueue_indirect_dma source(%arg9 : memref<80x64xf32, #tpu.memory_space<vmem>>) target(%dma_start3A_83 : memref<10000x64xf32, #tpu.memory_space<vmem_shared>>) offsets(%dma_start3A_80 : memref<80xi32, #tpu.memory_space<vmem>>) semaphore(%run_scoped3A : memref<!tpu.dma_semaphore, #tpu.memory_space<semaphore_mem>>) {add = true}
        %dma_wait3A_84 = arith.constant 0 : i32
        %dma_wait3A_85 = tpu.memref_slice %arg8[%mul3A_35, %dma_wait3A_84] : memref<250x80xi32, #tpu.memory_space<vmem>> -> memref<1x80xi32, #tpu.memory_space<vmem>>
        %dma_wait3A_86 = tpu.memref_squeeze %dma_wait3A_85 : memref<1x80xi32, #tpu.memory_space<vmem>> -> memref<80xi32, #tpu.memory_space<vmem>>
        %dma_wait3A_87 = arith.constant 0 : i32
        %dma_wait3A_88 = arith.constant 0 : i32
        %dma_wait3A_89 = tpu.memref_slice %arg11[%dma_wait3A_87, %dma_wait3A_88] : memref<10000x64xf32, #tpu.memory_space<vmem_shared>> -> memref<10000x64xf32, #tpu.memory_space<vmem_shared>>
        tpu.wait_indirect_dma semaphore(%run_scoped3A : memref<!tpu.dma_semaphore, #tpu.memory_space<semaphore_mem>>) src(%arg9 : memref<80x64xf32, #tpu.memory_space<vmem>>) dst(%dma_wait3A_89 : memref<10000x64xf32, #tpu.memory_space<vmem_shared>>)
        tpu.yield
      }) : () -> ()
      %add3A_56 = arith.constant 2 : i32
      %add3A_57 = arith.addi %mul3A_35, %add3A_56 : i32
      %lt3A_58 = arith.constant 250 : i32
      %lt3A_59 = arith.cmpi slt, %add3A_57, %lt3A_58 : i32
      %convert_element_type3A_60 = arith.extui %lt3A_59 : i1 to i32
      %cond3A_61 = arith.constant 0 : i32
      %cond3A_62 = arith.cmpi ne, %convert_element_type3A_60, %cond3A_61 : i32
      scf.if %cond3A_62 {
        %add3A_78 = arith.constant 2 : i32
        %add3A_79 = arith.addi %mul3A_35, %add3A_78 : i32
        %dma_start3A_80 = arith.constant 0 : i32
        %dma_start3A_81 = tpu.memref_slice %arg7[%add3A_79, %dma_start3A_80] : memref<250x80xi32, #tpu.memory_space<vmem>> -> memref<1x80xi32, #tpu.memory_space<vmem>>
        %dma_start3A_82 = tpu.memref_squeeze %dma_start3A_81 : memref<1x80xi32, #tpu.memory_space<vmem>> -> memref<80xi32, #tpu.memory_space<vmem>>
        %dma_start3A_83 = arith.constant 0 : i32
        %dma_start3A_84 = arith.constant 0 : i32
        %dma_start3A_85 = tpu.memref_slice %arg2[%arg0, %dma_start3A_83, %dma_start3A_84] : memref<2x10000x64xf32, #tpu.memory_space<hbm>> -> memref<1x10000x64xf32, #tpu.memory_space<hbm>>
        %dma_start3A_86 = tpu.memref_squeeze %dma_start3A_85 : memref<1x10000x64xf32, #tpu.memory_space<hbm>> -> memref<10000x64xf32, #tpu.memory_space<hbm>>
        %dma_start3A_87 = arith.constant 0 : i32
        %dma_start3A_88 = arith.constant 0 : i32
        %dma_start3A_89 = tpu.memref_slice %dma_start3A_86[%dma_start3A_87, %dma_start3A_88] : memref<10000x64xf32, #tpu.memory_space<hbm>> -> memref<10000x64xf32, #tpu.memory_space<hbm>>
        tpu.enqueue_indirect_dma source(%dma_start3A_89 : memref<10000x64xf32, #tpu.memory_space<hbm>>) target(%arg9 : memref<80x64xf32, #tpu.memory_space<vmem>>) offsets(%dma_start3A_82 : memref<80xi32, #tpu.memory_space<vmem>>) semaphore(%arg12 : memref<!tpu.dma_semaphore, #tpu.memory_space<semaphore_mem>>)
      } else {
      }
      %add3A_63 = arith.constant 1 : i32
      %add3A_64 = arith.addi %mul3A_35, %add3A_63 : i32
      %dma_wait3A_65 = arith.constant 0 : i32
      %dma_wait3A_66 = tpu.memref_slice %arg7[%add3A_64, %dma_wait3A_65] : memref<250x80xi32, #tpu.memory_space<vmem>> -> memref<1x80xi32, #tpu.memory_space<vmem>>
      %dma_wait3A_67 = tpu.memref_squeeze %dma_wait3A_66 : memref<1x80xi32, #tpu.memory_space<vmem>> -> memref<80xi32, #tpu.memory_space<vmem>>
      %dma_wait3A_68 = arith.constant 0 : i32
      %dma_wait3A_69 = arith.constant 0 : i32
      %dma_wait3A_70 = tpu.memref_slice %arg2[%arg0, %dma_wait3A_68, %dma_wait3A_69] : memref<2x10000x64xf32, #tpu.memory_space<hbm>> -> memref<1x10000x64xf32, #tpu.memory_space<hbm>>
      %dma_wait3A_71 = tpu.memref_squeeze %dma_wait3A_70 : memref<1x10000x64xf32, #tpu.memory_space<hbm>> -> memref<10000x64xf32, #tpu.memory_space<hbm>>
      %dma_wait3A_72 = arith.constant 0 : i32
      %dma_wait3A_73 = arith.constant 0 : i32
      %dma_wait3A_74 = tpu.memref_slice %dma_wait3A_71[%dma_wait3A_72, %dma_wait3A_73] : memref<10000x64xf32, #tpu.memory_space<hbm>> -> memref<10000x64xf32, #tpu.memory_space<hbm>>
      tpu.wait_indirect_dma semaphore(%arg13 : memref<!tpu.dma_semaphore, #tpu.memory_space<semaphore_mem>>) src(%dma_wait3A_74 : memref<10000x64xf32, #tpu.memory_space<hbm>>) dst(%arg10 : memref<80x64xf32, #tpu.memory_space<vmem>>)
      %add3A_75 = arith.constant 1 : i32
      %add3A_76 = arith.addi %mul3A_35, %add3A_75 : i32
      "tpu.region"() ({
        %run_scoped3A = tpu.sem_alloc : memref<!tpu.dma_semaphore, #tpu.memory_space<semaphore_mem>>
        %dma_start3A_78 = arith.constant 0 : i32
        %dma_start3A_79 = tpu.memref_slice %arg8[%add3A_76, %dma_start3A_78] : memref<250x80xi32, #tpu.memory_space<vmem>> -> memref<1x80xi32, #tpu.memory_space<vmem>>
        %dma_start3A_80 = tpu.memref_squeeze %dma_start3A_79 : memref<1x80xi32, #tpu.memory_space<vmem>> -> memref<80xi32, #tpu.memory_space<vmem>>
        %dma_start3A_81 = arith.constant 0 : i32
        %dma_start3A_82 = arith.constant 0 : i32
        %dma_start3A_83 = tpu.memref_slice %arg11[%dma_start3A_81, %dma_start3A_82] : memref<10000x64xf32, #tpu.memory_space<vmem_shared>> -> memref<10000x64xf32, #tpu.memory_space<vmem_shared>>
        tpu.enqueue_indirect_dma source(%arg10 : memref<80x64xf32, #tpu.memory_space<vmem>>) target(%dma_start3A_83 : memref<10000x64xf32, #tpu.memory_space<vmem_shared>>) offsets(%dma_start3A_80 : memref<80xi32, #tpu.memory_space<vmem>>) semaphore(%run_scoped3A : memref<!tpu.dma_semaphore, #tpu.memory_space<semaphore_mem>>) {add = true}
        %dma_wait3A_84 = arith.constant 0 : i32
        %dma_wait3A_85 = tpu.memref_slice %arg8[%add3A_76, %dma_wait3A_84] : memref<250x80xi32, #tpu.memory_space<vmem>> -> memref<1x80xi32, #tpu.memory_space<vmem>>
        %dma_wait3A_86 = tpu.memref_squeeze %dma_wait3A_85 : memref<1x80xi32, #tpu.memory_space<vmem>> -> memref<80xi32, #tpu.memory_space<vmem>>
        %dma_wait3A_87 = arith.constant 0 : i32
        %dma_wait3A_88 = arith.constant 0 : i32
        %dma_wait3A_89 = tpu.memref_slice %arg11[%dma_wait3A_87, %dma_wait3A_88] : memref<10000x64xf32, #tpu.memory_space<vmem_shared>> -> memref<10000x64xf32, #tpu.memory_space<vmem_shared>>
        tpu.wait_indirect_dma semaphore(%run_scoped3A : memref<!tpu.dma_semaphore, #tpu.memory_space<semaphore_mem>>) src(%arg10 : memref<80x64xf32, #tpu.memory_space<vmem>>) dst(%dma_wait3A_89 : memref<10000x64xf32, #tpu.memory_space<vmem_shared>>)
        tpu.yield
      }) : () -> ()
      %scan3A_77 = arith.constant 0 : i32
      scf.yield %scan3A_77 : i32
    }
    %scan3A_21 = arith.constant 125 : i32
    %barrier3A_22 = arith.constant 0 : index
    tpu.barrier barrier_id(%barrier3A_22)
    %lt3A_23 = arith.constant 15 : i32
    %lt3A_24 = arith.cmpi slt, %arg1, %lt3A_23 : i32
    %convert_element_type3A_25 = arith.extui %lt3A_24 : i1 to i32
    %cond3A_26 = arith.constant 0 : i32
    %cond3A_27 = arith.cmpi ne, %convert_element_type3A_25, %cond3A_26 : i32
    scf.if %cond3A_27 {
      %mul3A = arith.constant 624 : i32
      %mul3A_33 = arith.muli %arg1, %mul3A : i32
      %mul3A_34 = arith.constant 624 : i32
      %mul3A_35 = arith.muli %arg1, %mul3A_34 : i32
      "tpu.region"() ({
        %run_scoped3A = tpu.sem_alloc : memref<!tpu.dma_semaphore, #tpu.memory_space<semaphore_mem>>
        %dma_start3A_36 = arith.constant 0 : i32
        %dma_start3A_37 = arith.constant 0 : i32
        %dma_start3A_38 = tpu.memref_slice %arg6[%arg0, %dma_start3A_36, %dma_start3A_37] : memref<2x10000x64xf32, #tpu.memory_space<hbm>> -> memref<1x10000x64xf32, #tpu.memory_space<hbm>>
        %dma_start3A_39 = tpu.memref_squeeze %dma_start3A_38 : memref<1x10000x64xf32, #tpu.memory_space<hbm>> -> memref<10000x64xf32, #tpu.memory_space<hbm>>
        %dma_start3A_40 = arith.constant 0 : i32
        %dma_start3A_41 = tpu.memref_slice %dma_start3A_39[%mul3A_35, %dma_start3A_40] : memref<10000x64xf32, #tpu.memory_space<hbm>> -> memref<624x64xf32, #tpu.memory_space<hbm>>
        %dma_start3A_42 = arith.constant 0 : i32
        %dma_start3A_43 = tpu.memref_slice %arg11[%mul3A_33, %dma_start3A_42] : memref<10000x64xf32, #tpu.memory_space<vmem_shared>> -> memref<624x64xf32, #tpu.memory_space<vmem_shared>>
        tpu.enqueue_dma source(%dma_start3A_43 : memref<624x64xf32, #tpu.memory_space<vmem_shared>>) target(%dma_start3A_41 : memref<624x64xf32, #tpu.memory_space<hbm>>) target_semaphore(%run_scoped3A : memref<!tpu.dma_semaphore, #tpu.memory_space<semaphore_mem>>)
        %dma_wait3A = arith.constant 0 : i32
        %dma_wait3A_44 = arith.constant 0 : i32
        %dma_wait3A_45 = tpu.memref_slice %arg6[%arg0, %dma_wait3A, %dma_wait3A_44] : memref<2x10000x64xf32, #tpu.memory_space<hbm>> -> memref<1x10000x64xf32, #tpu.memory_space<hbm>>
        %dma_wait3A_46 = tpu.memref_squeeze %dma_wait3A_45 : memref<1x10000x64xf32, #tpu.memory_space<hbm>> -> memref<10000x64xf32, #tpu.memory_space<hbm>>
        %dma_wait3A_47 = arith.constant 0 : i32
        %dma_wait3A_48 = tpu.memref_slice %dma_wait3A_46[%mul3A_35, %dma_wait3A_47] : memref<10000x64xf32, #tpu.memory_space<hbm>> -> memref<624x64xf32, #tpu.memory_space<hbm>>
        %dma_wait3A_49 = arith.constant 0 : i32
        %dma_wait3A_50 = tpu.memref_slice %arg11[%mul3A_33, %dma_wait3A_49] : memref<10000x64xf32, #tpu.memory_space<vmem_shared>> -> memref<624x64xf32, #tpu.memory_space<vmem_shared>>
        tpu.wait_dma2 semaphore(%run_scoped3A : memref<!tpu.dma_semaphore, #tpu.memory_space<semaphore_mem>>) src(%dma_wait3A_50 : memref<624x64xf32, #tpu.memory_space<vmem_shared>>) dst(%dma_wait3A_48 : memref<624x64xf32, #tpu.memory_space<hbm>>)
        tpu.yield
      }) : () -> ()
    } else {
    }
    %eq3A_28 = arith.constant 15 : i32
    %eq3A_29 = arith.cmpi eq, %arg1, %eq3A_28 : i32
    %convert_element_type3A_30 = arith.extui %eq3A_29 : i1 to i32
    %cond3A_31 = arith.constant 0 : i32
    %cond3A_32 = arith.cmpi ne, %convert_element_type3A_30, %cond3A_31 : i32
    scf.if %cond3A_32 {
      %mul3A = arith.constant 624 : i32
      %mul3A_33 = arith.muli %arg1, %mul3A : i32
      %mul3A_34 = arith.constant 624 : i32
      %mul3A_35 = arith.muli %arg1, %mul3A_34 : i32
      "tpu.region"() ({
        %run_scoped3A = tpu.sem_alloc : memref<!tpu.dma_semaphore, #tpu.memory_space<semaphore_mem>>
        %dma_start3A_36 = arith.constant 0 : i32
        %dma_start3A_37 = arith.constant 0 : i32
        %dma_start3A_38 = tpu.memref_slice %arg6[%arg0, %dma_start3A_36, %dma_start3A_37] : memref<2x10000x64xf32, #tpu.memory_space<hbm>> -> memref<1x10000x64xf32, #tpu.memory_space<hbm>>
        %dma_start3A_39 = tpu.memref_squeeze %dma_start3A_38 : memref<1x10000x64xf32, #tpu.memory_space<hbm>> -> memref<10000x64xf32, #tpu.memory_space<hbm>>
        %dma_start3A_40 = arith.constant 0 : i32
        %dma_start3A_41 = tpu.memref_slice %dma_start3A_39[%mul3A_35, %dma_start3A_40] : memref<10000x64xf32, #tpu.memory_space<hbm>> -> memref<640x64xf32, #tpu.memory_space<hbm>>
        %dma_start3A_42 = arith.constant 0 : i32
        %dma_start3A_43 = tpu.memref_slice %arg11[%mul3A_33, %dma_start3A_42] : memref<10000x64xf32, #tpu.memory_space<vmem_shared>> -> memref<640x64xf32, #tpu.memory_space<vmem_shared>>
        tpu.enqueue_dma source(%dma_start3A_43 : memref<640x64xf32, #tpu.memory_space<vmem_shared>>) target(%dma_start3A_41 : memref<640x64xf32, #tpu.memory_space<hbm>>) target_semaphore(%run_scoped3A : memref<!tpu.dma_semaphore, #tpu.memory_space<semaphore_mem>>)
        %dma_wait3A = arith.constant 0 : i32
        %dma_wait3A_44 = arith.constant 0 : i32
        %dma_wait3A_45 = tpu.memref_slice %arg6[%arg0, %dma_wait3A, %dma_wait3A_44] : memref<2x10000x64xf32, #tpu.memory_space<hbm>> -> memref<1x10000x64xf32, #tpu.memory_space<hbm>>
        %dma_wait3A_46 = tpu.memref_squeeze %dma_wait3A_45 : memref<1x10000x64xf32, #tpu.memory_space<hbm>> -> memref<10000x64xf32, #tpu.memory_space<hbm>>
        %dma_wait3A_47 = arith.constant 0 : i32
        %dma_wait3A_48 = tpu.memref_slice %dma_wait3A_46[%mul3A_35, %dma_wait3A_47] : memref<10000x64xf32, #tpu.memory_space<hbm>> -> memref<640x64xf32, #tpu.memory_space<hbm>>
        %dma_wait3A_49 = arith.constant 0 : i32
        %dma_wait3A_50 = tpu.memref_slice %arg11[%mul3A_33, %dma_wait3A_49] : memref<10000x64xf32, #tpu.memory_space<vmem_shared>> -> memref<640x64xf32, #tpu.memory_space<vmem_shared>>
        tpu.wait_dma2 semaphore(%run_scoped3A : memref<!tpu.dma_semaphore, #tpu.memory_space<semaphore_mem>>) src(%dma_wait3A_50 : memref<640x64xf32, #tpu.memory_space<vmem_shared>>) dst(%dma_wait3A_48 : memref<640x64xf32, #tpu.memory_space<hbm>>)
        tpu.yield
      }) : () -> ()
    } else {
    }
    return
  }
}

module attributes {stable_mosaic.version = 14 : i64} {
  func.func @body(%arg0: i32, %arg1: memref<2x1000x64xf32, #tpu.memory_space<vmem>>, %arg2: memref<1000x128xf32, #tpu.memory_space<vmem>>, %arg3: memref<128x128xf32, #tpu.memory_space<vmem>>, %arg4: memref<128x128xf32, #tpu.memory_space<vmem>>, %arg5: memref<128x128xf32, #tpu.memory_space<vmem>>, %arg6: memref<128x128xf32, #tpu.memory_space<vmem>>, %arg7: memref<128x128xf32, #tpu.memory_space<vmem>>, %arg8: memref<1x128xf32, #tpu.memory_space<vmem>>, %arg9: memref<1x128xf32, #tpu.memory_space<vmem>>, %arg10: memref<1x128xf32, #tpu.memory_space<vmem>>, %arg11: memref<1x128xf32, #tpu.memory_space<vmem>>, %arg12: memref<1x128xf32, #tpu.memory_space<vmem>>, %arg13: memref<1x128xf32, #tpu.memory_space<vmem>>, %arg14: memref<1x128xf32, #tpu.memory_space<vmem>>, %arg15: memref<1000x128xf32, #tpu.memory_space<vmem>>) attributes {dimension_semantics = [#tpu.dimension_semantics<arbitrary>], iteration_bounds = array<i64: 10>, scalar_prefetch = 0 : i64, scratch_operands = 0 : i64, tpu.core_type = #tpu.core_type<tc>, window_params = [{transform_indices = @transform_0, window_bounds = array<i64: 2, 1000, 64>}, {transform_indices = @transform_1, window_bounds = array<i64: 1000, 128>}, {pipeline_mode = #tpu.pipeline_mode<synchronous>, transform_indices = @transform_2, window_bounds = array<i64: 128, 128>}, {pipeline_mode = #tpu.pipeline_mode<synchronous>, transform_indices = @transform_3, window_bounds = array<i64: 128, 128>}, {pipeline_mode = #tpu.pipeline_mode<synchronous>, transform_indices = @transform_4, window_bounds = array<i64: 128, 128>}, {pipeline_mode = #tpu.pipeline_mode<synchronous>, transform_indices = @transform_5, window_bounds = array<i64: 128, 128>}, {pipeline_mode = #tpu.pipeline_mode<synchronous>, transform_indices = @transform_6, window_bounds = array<i64: 128, 128>}, {pipeline_mode = #tpu.pipeline_mode<synchronous>, transform_indices = @transform_7, window_bounds = array<i64: 1, 128>}, {pipeline_mode = #tpu.pipeline_mode<synchronous>, transform_indices = @transform_8, window_bounds = array<i64: 1, 128>}, {pipeline_mode = #tpu.pipeline_mode<synchronous>, transform_indices = @transform_9, window_bounds = array<i64: 1, 128>}, {pipeline_mode = #tpu.pipeline_mode<synchronous>, transform_indices = @transform_10, window_bounds = array<i64: 1, 128>}, {pipeline_mode = #tpu.pipeline_mode<synchronous>, transform_indices = @transform_11, window_bounds = array<i64: 1, 128>}, {pipeline_mode = #tpu.pipeline_mode<synchronous>, transform_indices = @transform_12, window_bounds = array<i64: 1, 128>}, {pipeline_mode = #tpu.pipeline_mode<synchronous>, transform_indices = @transform_13, window_bounds = array<i64: 1, 128>}, {transform_indices = @transform_14, window_bounds = array<i64: 1000, 128>}]} {
    %get3A = arith.constant 0 : index
    %get3A_0 = arith.constant 0 : index
    %get3A_1 = arith.constant 0 : index
    %get3A_2 = vector.load %arg1[%get3A, %get3A_0, %get3A_1] : memref<2x1000x64xf32, #tpu.memory_space<vmem>>, vector<1x1000x64xf32>
    %get3A_3 = vector.shape_cast %get3A_2 : vector<1x1000x64xf32> to vector<1000x64xf32>
    %get3A_4 = arith.constant 1 : index
    %get3A_5 = arith.constant 0 : index
    %get3A_6 = arith.constant 0 : index
    %get3A_7 = vector.load %arg1[%get3A_4, %get3A_5, %get3A_6] : memref<2x1000x64xf32, #tpu.memory_space<vmem>>, vector<1x1000x64xf32>
    %get3A_8 = vector.shape_cast %get3A_7 : vector<1x1000x64xf32> to vector<1000x64xf32>
    %concatenate3A = tpu.concatenate %get3A_3, %get3A_8 in 1 : vector<1000x64xf32>, vector<1000x64xf32> -> vector<1000x128xf32>
    %get3A_9 = arith.constant 0 : index
    %get3A_10 = arith.constant 0 : index
    %get3A_11 = vector.load %arg8[%get3A_9, %get3A_10] : memref<1x128xf32, #tpu.memory_space<vmem>>, vector<1x128xf32>
    %get3A_12 = vector.shape_cast %get3A_11 : vector<1x128xf32> to vector<128xf32>
    %broadcast_in_dim3A = vector.shape_cast %get3A_12 : vector<128xf32> to vector<1x128xf32>
    %add3A = vector.broadcast %broadcast_in_dim3A : vector<1x128xf32> to vector<1000x128xf32>
    %add3A_13 = arith.addf %concatenate3A, %add3A : vector<1000x128xf32>
    %get3A_14 = arith.constant 0 : index
    %get3A_15 = arith.constant 0 : index
    %get3A_16 = vector.load %arg2[%get3A_14, %get3A_15] : memref<1000x128xf32, #tpu.memory_space<vmem>>, vector<1000x128xf32>
    %get3A_17 = arith.constant 0 : index
    %get3A_18 = arith.constant 0 : index
    %get3A_19 = vector.load %arg3[%get3A_17, %get3A_18] : memref<128x128xf32, #tpu.memory_space<vmem>>, vector<128x128xf32>
    %dot_general3A = arith.constant dense<0.000000e+00> : vector<1000x128xf32>
    %dot_general3A_20 = tpu.matmul %get3A_16, %get3A_19, %dot_general3A {dimension_numbers = #tpu.dot_dimension_numbers<[1], [0], [0], [1], [0, 0, 1, 1], [], []>, transpose_lhs_hint = false} : vector<1000x128xf32>, vector<128x128xf32>, vector<1000x128xf32> -> vector<1000x128xf32>
    %get3A_21 = arith.constant 0 : index
    %get3A_22 = arith.constant 0 : index
    %get3A_23 = vector.load %arg9[%get3A_21, %get3A_22] : memref<1x128xf32, #tpu.memory_space<vmem>>, vector<1x128xf32>
    %get3A_24 = vector.shape_cast %get3A_23 : vector<1x128xf32> to vector<128xf32>
    %broadcast_in_dim3A_25 = vector.shape_cast %get3A_24 : vector<128xf32> to vector<1x128xf32>
    %add3A_26 = vector.broadcast %broadcast_in_dim3A_25 : vector<1x128xf32> to vector<1000x128xf32>
    %add3A_27 = arith.addf %dot_general3A_20, %add3A_26 : vector<1000x128xf32>
    %get3A_28 = arith.constant 0 : index
    %get3A_29 = arith.constant 0 : index
    %get3A_30 = vector.load %arg4[%get3A_28, %get3A_29] : memref<128x128xf32, #tpu.memory_space<vmem>>, vector<128x128xf32>
    %dot_general3A_31 = arith.constant dense<0.000000e+00> : vector<1000x128xf32>
    %dot_general3A_32 = tpu.matmul %add3A_13, %get3A_30, %dot_general3A_31 {dimension_numbers = #tpu.dot_dimension_numbers<[1], [0], [0], [1], [0, 0, 1, 1], [], []>, transpose_lhs_hint = false} : vector<1000x128xf32>, vector<128x128xf32>, vector<1000x128xf32> -> vector<1000x128xf32>
    %get3A_33 = arith.constant 0 : index
    %get3A_34 = arith.constant 0 : index
    %get3A_35 = vector.load %arg5[%get3A_33, %get3A_34] : memref<128x128xf32, #tpu.memory_space<vmem>>, vector<128x128xf32>
    %dot_general3A_36 = arith.constant dense<0.000000e+00> : vector<1000x128xf32>
    %dot_general3A_37 = tpu.matmul %add3A_27, %get3A_35, %dot_general3A_36 {dimension_numbers = #tpu.dot_dimension_numbers<[1], [0], [0], [1], [0, 0, 1, 1], [], []>, transpose_lhs_hint = false} : vector<1000x128xf32>, vector<128x128xf32>, vector<1000x128xf32> -> vector<1000x128xf32>
    %add3A_38 = arith.addf %dot_general3A_32, %dot_general3A_37 : vector<1000x128xf32>
    %get3A_39 = arith.constant 0 : index
    %get3A_40 = arith.constant 0 : index
    %get3A_41 = vector.load %arg10[%get3A_39, %get3A_40] : memref<1x128xf32, #tpu.memory_space<vmem>>, vector<1x128xf32>
    %get3A_42 = vector.shape_cast %get3A_41 : vector<1x128xf32> to vector<128xf32>
    %broadcast_in_dim3A_43 = vector.shape_cast %get3A_42 : vector<128xf32> to vector<1x128xf32>
    %add3A_44 = vector.broadcast %broadcast_in_dim3A_43 : vector<1x128xf32> to vector<1000x128xf32>
    %add3A_45 = arith.addf %add3A_38, %add3A_44 : vector<1000x128xf32>
    %add3A_46 = arith.addf %add3A_45, %add3A_13 : vector<1000x128xf32>
    %add3A_47 = arith.addf %add3A_46, %add3A_27 : vector<1000x128xf32>
    %max3A = arith.constant 0.000000e+00 : f32
    %max3A_48 = vector.broadcast %max3A : f32 to vector<1000x128xf32>
    %max3A_49 = arith.maximumf %add3A_47, %max3A_48 : vector<1000x128xf32>
    %get3A_50 = arith.constant 0 : index
    %get3A_51 = arith.constant 0 : index
    %get3A_52 = vector.load %arg6[%get3A_50, %get3A_51] : memref<128x128xf32, #tpu.memory_space<vmem>>, vector<128x128xf32>
    %dot_general3A_53 = arith.constant dense<0.000000e+00> : vector<1000x128xf32>
    %dot_general3A_54 = tpu.matmul %max3A_49, %get3A_52, %dot_general3A_53 {dimension_numbers = #tpu.dot_dimension_numbers<[1], [0], [0], [1], [0, 0, 1, 1], [], []>, transpose_lhs_hint = false} : vector<1000x128xf32>, vector<128x128xf32>, vector<1000x128xf32> -> vector<1000x128xf32>
    %get3A_55 = arith.constant 0 : index
    %get3A_56 = arith.constant 0 : index
    %get3A_57 = vector.load %arg11[%get3A_55, %get3A_56] : memref<1x128xf32, #tpu.memory_space<vmem>>, vector<1x128xf32>
    %get3A_58 = vector.shape_cast %get3A_57 : vector<1x128xf32> to vector<128xf32>
    %broadcast_in_dim3A_59 = vector.shape_cast %get3A_58 : vector<128xf32> to vector<1x128xf32>
    %add3A_60 = vector.broadcast %broadcast_in_dim3A_59 : vector<1x128xf32> to vector<1000x128xf32>
    %add3A_61 = arith.addf %dot_general3A_54, %add3A_60 : vector<1000x128xf32>
    %max3A_62 = arith.constant 0.000000e+00 : f32
    %max3A_63 = vector.broadcast %max3A_62 : f32 to vector<1000x128xf32>
    %max3A_64 = arith.maximumf %add3A_61, %max3A_63 : vector<1000x128xf32>
    %get3A_65 = arith.constant 0 : index
    %get3A_66 = arith.constant 0 : index
    %get3A_67 = vector.load %arg13[%get3A_65, %get3A_66] : memref<1x128xf32, #tpu.memory_space<vmem>>, vector<1x128xf32>
    %get3A_68 = vector.shape_cast %get3A_67 : vector<1x128xf32> to vector<128xf32>
    %broadcast_in_dim3A_69 = vector.shape_cast %get3A_68 : vector<128xf32> to vector<1x128xf32>
    %mul3A = vector.broadcast %broadcast_in_dim3A_69 : vector<1x128xf32> to vector<1000x128xf32>
    %mul3A_70 = arith.mulf %mul3A, %max3A_64 : vector<1000x128xf32>
    %mul3A_71 = arith.constant 0.999994993 : f32
    %mul3A_72 = vector.broadcast %mul3A_71 : f32 to vector<1000x128xf32>
    %mul3A_73 = arith.mulf %mul3A_70, %mul3A_72 : vector<1000x128xf32>
    %get3A_74 = arith.constant 0 : index
    %get3A_75 = arith.constant 0 : index
    %get3A_76 = vector.load %arg14[%get3A_74, %get3A_75] : memref<1x128xf32, #tpu.memory_space<vmem>>, vector<1x128xf32>
    %get3A_77 = vector.shape_cast %get3A_76 : vector<1x128xf32> to vector<128xf32>
    %broadcast_in_dim3A_78 = vector.shape_cast %get3A_77 : vector<128xf32> to vector<1x128xf32>
    %add3A_79 = vector.broadcast %broadcast_in_dim3A_78 : vector<1x128xf32> to vector<1000x128xf32>
    %add3A_80 = arith.addf %mul3A_73, %add3A_79 : vector<1000x128xf32>
    %get3A_81 = arith.constant 0 : index
    %get3A_82 = arith.constant 0 : index
    %get3A_83 = vector.load %arg7[%get3A_81, %get3A_82] : memref<128x128xf32, #tpu.memory_space<vmem>>, vector<128x128xf32>
    %dot_general3A_84 = arith.constant dense<0.000000e+00> : vector<1000x128xf32>
    %dot_general3A_85 = tpu.matmul %add3A_80, %get3A_83, %dot_general3A_84 {dimension_numbers = #tpu.dot_dimension_numbers<[1], [0], [0], [1], [0, 0, 1, 1], [], []>, transpose_lhs_hint = false} : vector<1000x128xf32>, vector<128x128xf32>, vector<1000x128xf32> -> vector<1000x128xf32>
    %get3A_86 = arith.constant 0 : index
    %get3A_87 = arith.constant 0 : index
    %get3A_88 = vector.load %arg12[%get3A_86, %get3A_87] : memref<1x128xf32, #tpu.memory_space<vmem>>, vector<1x128xf32>
    %get3A_89 = vector.shape_cast %get3A_88 : vector<1x128xf32> to vector<128xf32>
    %broadcast_in_dim3A_90 = vector.shape_cast %get3A_89 : vector<128xf32> to vector<1x128xf32>
    %add3A_91 = vector.broadcast %broadcast_in_dim3A_90 : vector<1x128xf32> to vector<1000x128xf32>
    %add3A_92 = arith.addf %dot_general3A_85, %add3A_91 : vector<1000x128xf32>
    %swap3A = arith.constant 0 : index
    %swap3A_93 = arith.constant 0 : index
    %swap3A_94 = vector.load %arg15[%swap3A, %swap3A_93] : memref<1000x128xf32, #tpu.memory_space<vmem>>, vector<1000x128xf32>
    tpu.vector_store %arg15[%swap3A, %swap3A_93], %add3A_92 {strides = array<i32>} : memref<1000x128xf32, #tpu.memory_space<vmem>>, vector<1000x128xf32>,
    return
  }
  func.func @transform_0(%arg0: i32) -> (i32, i32, i32) {
    %c0_i32 = arith.constant 0 : i32
    %c0_i32_0 = arith.constant 0 : i32
    %c0_i32_1 = arith.constant 0 : i32
    return %c0_i32, %arg0, %c0_i32_0 : i32, i32, i32
  }
  func.func @transform_1(%arg0: i32) -> (i32, i32) {
    %c0_i32 = arith.constant 0 : i32
    %c0_i32_0 = arith.constant 0 : i32
    return %arg0, %c0_i32 : i32, i32
  }
  func.func @transform_2(%arg0: i32) -> (i32, i32) {
    %c0_i32 = arith.constant 0 : i32
    %c0_i32_0 = arith.constant 0 : i32
    %c0_i32_1 = arith.constant 0 : i32
    return %c0_i32, %c0_i32_0 : i32, i32
  }
  func.func @transform_3(%arg0: i32) -> (i32, i32) {
    %c0_i32 = arith.constant 0 : i32
    %c0_i32_0 = arith.constant 0 : i32
    %c0_i32_1 = arith.constant 0 : i32
    return %c0_i32, %c0_i32_0 : i32, i32
  }
  func.func @transform_4(%arg0: i32) -> (i32, i32) {
    %c0_i32 = arith.constant 0 : i32
    %c0_i32_0 = arith.constant 0 : i32
    %c0_i32_1 = arith.constant 0 : i32
    return %c0_i32, %c0_i32_0 : i32, i32
  }
  func.func @transform_5(%arg0: i32) -> (i32, i32) {
    %c0_i32 = arith.constant 0 : i32
    %c0_i32_0 = arith.constant 0 : i32
    %c0_i32_1 = arith.constant 0 : i32
    return %c0_i32, %c0_i32_0 : i32, i32
  }
  func.func @transform_6(%arg0: i32) -> (i32, i32) {
    %c0_i32 = arith.constant 0 : i32
    %c0_i32_0 = arith.constant 0 : i32
    %c0_i32_1 = arith.constant 0 : i32
    return %c0_i32, %c0_i32_0 : i32, i32
  }
  func.func @transform_7(%arg0: i32) -> (i32, i32) {
    %c0_i32 = arith.constant 0 : i32
    %c0_i32_0 = arith.constant 0 : i32
    %c0_i32_1 = arith.constant 0 : i32
    return %c0_i32, %c0_i32_0 : i32, i32
  }
  func.func @transform_8(%arg0: i32) -> (i32, i32) {
    %c0_i32 = arith.constant 0 : i32
    %c0_i32_0 = arith.constant 0 : i32
    %c0_i32_1 = arith.constant 0 : i32
    return %c0_i32, %c0_i32_0 : i32, i32
  }
  func.func @transform_9(%arg0: i32) -> (i32, i32) {
    %c0_i32 = arith.constant 0 : i32
    %c0_i32_0 = arith.constant 0 : i32
    %c0_i32_1 = arith.constant 0 : i32
    return %c0_i32, %c0_i32_0 : i32, i32
  }
  func.func @transform_10(%arg0: i32) -> (i32, i32) {
    %c0_i32 = arith.constant 0 : i32
    %c0_i32_0 = arith.constant 0 : i32
    %c0_i32_1 = arith.constant 0 : i32
    return %c0_i32, %c0_i32_0 : i32, i32
  }
  func.func @transform_11(%arg0: i32) -> (i32, i32) {
    %c0_i32 = arith.constant 0 : i32
    %c0_i32_0 = arith.constant 0 : i32
    %c0_i32_1 = arith.constant 0 : i32
    return %c0_i32, %c0_i32_0 : i32, i32
  }
  func.func @transform_12(%arg0: i32) -> (i32, i32) {
    %c0_i32 = arith.constant 0 : i32
    %c0_i32_0 = arith.constant 0 : i32
    %c0_i32_1 = arith.constant 0 : i32
    return %c0_i32, %c0_i32_0 : i32, i32
  }
  func.func @transform_13(%arg0: i32) -> (i32, i32) {
    %c0_i32 = arith.constant 0 : i32
    %c0_i32_0 = arith.constant 0 : i32
    %c0_i32_1 = arith.constant 0 : i32
    return %c0_i32, %c0_i32_0 : i32, i32
  }
  func.func @transform_14(%arg0: i32) -> (i32, i32) {
    %c0_i32 = arith.constant 0 : i32
    %c0_i32_0 = arith.constant 0 : i32
    return %arg0, %c0_i32 : i32, i32
  }
}

</mosaic_0001>

<sc_bundles>
// kernel: kernel.4.cloned.1.call-start
scs
__scs_entry_jumppad:
0x0: {  	(pc) =	sbr.rel $0x88, $3  }
0x1: {  	(tag) =	ssettag $0x0;
	lr =	simm.s32 $0x1  }
0x2: {  	[smem:$0x3F93] =	sst lr;
	_ =	strace $0xD0000000  }
0x3: {  	_ = 	snop  }
0x4: {  	_ = 	snop  }
0x5: {  	_ = 	snop  }
0x6: {  	_ = 	snop  }
0x7: {  	_ = 	snop  }
__scs_overlays_trampoline_lowered:
0x8: {  	[smem:$0x3FA2] =	sst s0  }
0x9: {  	[smem:$0x3FA3] =	sst s1  }
0xa: {  	[smem:$0x3FA4] =	sst s2  }
0xb: {  	[smem:$0x3FA5] =	sst s3  }
0xc: {  	[smem:$0x3FA6] =	sst s4  }
0xd: {  	[smem:$0x3FA7] =	sst s5  }
0xe: {  	[smem:$0x3FA8] =	sst s6  }
0xf: {  	[smem:$0x3FA9] =	sst s7  }
0x10: {  	[smem:$0x3FAA] =	sst s8  }
0x11: {  	[smem:$0x3FAB] =	sst s9;
	s0 =	simm.s32 @!p0 $0x0  }
0x12: {  	s1 =	sld [smem:$0x3F91];
	s0 =	simm.s32 @p0 $0x1  }
0x13: {  	[smem:$0x3FAC] =	sst s0;
	s0 =	simm.s32 @!p1 $0x0  }
0x14: {  	s2 =	sld [smem:$0x3F90];
	s0 =	simm.s32 @p1 $0x1  }
0x15: {  	[smem:$0x3FAD] =	sst s0;
	s0 =	simm.s32 @!p2 $0x0  }
0x16: {  	s3 =	sld [smem:$0x3FDB];
	s0 =	simm.s32 @p2 $0x1  }
0x17: {  	s4 =	simm.s32 $0x1BF5;
	[smem:$0x3FAF] =	sst s0  }
0x18: {  	s0 =	sld [smem:$0x3F92];
	_ =	swait.ge [sflag:s4], $0x0  }
0x19: {  	s7 =	sld [smem:$0x3F93]  }
0x1a: {  	s8 =	sadd.s32 $0xFFFFE003, lr  }
0x1b: {  	s9 =	sadd.s32 $0xFFFFFEF7, lr;
	s5 =	simm.s32 $0xFFFFFFFF;
	p2 =	slt.u32 s8, $0xFFFFF086  }
0x1c: {  	p1 =	slt.u32 s9, $0xF7A;
	s5 =	simm.s32 @!p2 $0x0  }
0x1d: {  	s5 =	simm.s32 @p1 $0x1;
	p0 =	seq.s32 s7, s2  }
0x1e: {  	s7 =	smul.u32 @!p0 $0xF7A, s2;
	p2 =	seq.s32 @!p0 s5, $0x0  }
0x1f: {  	s9 =	smul.u32 $0xF7A, s1;
	s8 =	simm.s32 @!p0 $0x1BF5;
	p2 =	por !p2, p0  }
0x20: {  	[sflag:s8] =	ssyncset.s32 @!p0 $0xFFFFF086;
	s6 =	sadd.s32 @!p0 s3, s7;
	s7 =	simm.s32 @!p0 $0x108  }
0x21: {  	s3 =	sadd.s32 s3, s9;
	s6 =	sadd.s32 @!p0 $0x88, s6;
	s7 =	simm.s32 @p2 $0x1082  }
0x22: {  	[simem:s7], [sflag:s8] =	dma.local @!p0 [hbm:s6], $0xF7A  }
0x23: {  	s9 =	sor.u32 $0xD0000000, s2;
	s6 =	simm.s32 $0x108;
	_ =	swait.ge @!p0 [sflag:s8], $0x0  }
0x24: {  	s3 =	sadd.s32 $0x88, s3;
	s6 =	simm.s32 @!p1 $0x1082;
	[sflag:s4] =	ssyncset.s32 $0xFFFFF086  }
0x25: {  	[simem:s6], [sflag:s4] =	dma.local [hbm:s3], $0xF7A  }
0x26: {  	[smem:$0x3F93] =	sst s1;
	(tag) =	ssettag s2;
	_ =	strace s9  }
0x27: {  	s1 =	sld [smem:$0x3FA3]  }
0x28: {  	s2 =	sld [smem:$0x3FA4]  }
0x29: {  	s4 =	sld [smem:$0x3FA6]  }
0x2a: {  	p0 =	seq.s32 s5, $0x0;
	s5 =	sld [smem:$0x3FA7]  }
0x2b: {  	s6 =	sld [smem:$0x3FA8]  }
0x2c: {  	s7 =	sld [smem:$0x3FA9]  }
0x2d: {  	s3 =	simm.s32 $0x108;
	s8 =	sld [smem:$0x3FAA]  }
0x2e: {  	s3 =	simm.s32 @!p0 $0x1082;
	s9 =	sld [smem:$0x3FAB]  }
0x2f: {  	lr =	sadd.s32 s0, s3;
	s0 =	sld [smem:$0x3FA2]  }
0x30: {  	s3 =	sld [smem:$0x3FA5]  }
0x31: {  	[smem:$0x3FAE] =	sst s10  }
0x32: {  	s10 =	sld [smem:$0x3FAC];
	_ =	sdelay $0x3  }
0x33: {  	p0 =	seq.s32 s10, $0x1;
	s10 =	sld [smem:$0x3FAE];
	_ =	sdelay $0x3  }
0x34: {  	[smem:$0x3FAE] =	sst s10  }
0x35: {  	s10 =	sld [smem:$0x3FAD];
	_ =	sdelay $0x3  }
0x36: {  	p1 =	seq.s32 s10, $0x1;
	s10 =	sld [smem:$0x3FAE];
	_ =	sdelay $0x3  }
0x37: {  	[smem:$0x3FAE] =	sst s10  }
0x38: {  	s10 =	sld [smem:$0x3FAF]  }
0x39: {  	_ = 	snop;
	(pc) =	sbr.ind lr, $3  }
0x3a: {  	_ = 	snop  }
0x3b: {  	_ = 	snop  }
0x3c: {  	p2 =	seq.s32 s10, $0x1;
	s10 =	sld [smem:$0x3FAE]  }
0x3d: {  	_ =	shalt  }
0x3e: {  	_ =	shalt  }
0x3f: {  	_ =	shalt  }
0x40: {  	_ =	shalt  }
0x41: {  	_ =	shalt  }
0x42: {  	_ =	shalt  }
0x43: {  	_ =	shalt  }
0x44: {  	_ =	shalt  }
0x45: {  	_ =	shalt  }
0x46: {  	_ =	shalt  }
0x47: {  	_ =	shalt  }
0x48: {  	_ =	shalt  }
0x49: {  	_ =	shalt  }
0x4a: {  	_ =	shalt  }
0x4b: {  	_ =	shalt  }
0x4c: {  	_ =	shalt  }
0x4d: {  	_ =	shalt  }
0x4e: {  	_ =	shalt  }
0x4f: {  	_ =	shalt  }
0x50: {  	_ =	shalt  }
0x51: {  	_ =	shalt  }
0x52: {  	_ =	shalt  }
0x53: {  	_ =	shalt  }
0x54: {  	_ =	shalt  }
0x55: {  	_ =	shalt  }
0x56: {  	_ =	shalt  }
0x57: {  	_ =	shalt  }
0x58: {  	_ =	shalt  }
0x59: {  	_ =	shalt  }
0x5a: {  	_ =	shalt  }
0x5b: {  	_ =	shalt  }
0x5c: {  	_ =	shalt  }
0x5d: {  	_ =	shalt  }
0x5e: {  	_ =	shalt  }
0x5f: {  	_ =	shalt  }
0x60: {  	_ =	shalt  }
0x61: {  	_ =	shalt  }
0x62: {  	_ =	shalt  }
0x63: {  	_ =	shalt  }
0x64: {  	_ =	shalt  }
0x65: {  	_ =	shalt  }
0x66: {  	_ =	shalt  }
0x67: {  	_ =	shalt  }
0x68: {  	_ =	shalt  }
0x69: {  	_ =	shalt  }
0x6a: {  	_ =	shalt  }
0x6b: {  	_ =	shalt  }
0x6c: {  	_ =	shalt  }
0x6d: {  	_ =	shalt  }
0x6e: {  	_ =	shalt  }
0x6f: {  	_ =	shalt  }
0x70: {  	_ =	shalt  }
0x71: {  	_ =	shalt  }
0x72: {  	_ =	shalt  }
0x73: {  	_ =	shalt  }
0x74: {  	_ =	shalt  }
0x75: {  	_ =	shalt  }
0x76: {  	_ =	shalt  }
0x77: {  	_ =	shalt  }
0x78: {  	_ =	shalt  }
0x79: {  	_ =	shalt  }
0x7a: {  	_ =	shalt  }
0x7b: {  	_ =	shalt  }
0x7c: {  	_ =	shalt  }
0x7d: {  	_ =	shalt  }
0x7e: {  	_ =	shalt  }
0x7f: {  	_ =	shalt  }
0x80: {  	_ =	shalt  }
0x81: {  	_ =	shalt  }
0x82: {  	_ =	shalt  }
0x83: {  	_ =	shalt  }
0x84: {  	_ =	shalt  }
0x85: {  	_ =	shalt  }
0x86: {  	_ =	shalt  }
0x87: {  	_ =	shalt  }
.Lfunc_end0:
.L_simem_size_0:
called_computation_lowered:
.L_overlay_start_0:
0x88: {  	s2 =	sld [smem:$0x3FD9]  }
0x89: {  	s3 =	sld [smem:$0x3FFE];
	_ =	sdelay $0x1  }
0x8a: {  	s1 =	srdreg.scid  }
0x8b: {  	s0 =	sand.u32 $0x1, s1  }
0x8c: {  	s17 =	sshll.u32 s0, $0xA;
	s2 =	sadd.s32 s3, s2  }
0x8d: {  	s2 =	sadd.s32 s2, s17  }
0x8e: {  	[smem:$0x3FBA] =	sst s2  }
0x8f: {  	_ = 	snop  }
0x90: {  	s2 =	sld [smem:$0x3FD0];
	(tm) =	ssettm $0x1  }
0x91: {  	s18 =	sld [smem:$0x3FFB];
	_ =	sdelay $0x3  }
0x92: {  	_ =	strace s18  }
0x93: {  	s3 =	sld [smem:$0x3FFC];
	_ =	sdelay $0x3  }
0x94: {  	_ =	strace s3  }
0x95: {  	s3 =	sld [smem:$0x3FFD];
	_ =	sdelay $0x3  }
0x96: {  	_ =	strace s3  }
0x97: {  	_ =	strace $0x8FFFFFFF  }
0x98: {  	s19 =	sld [smem:$0x3FDB];
	_ =	sdelay $0x1  }
0x99: {  	s4 =	simm.s32 $_scs_section_size  }
0x9a: {  	s5 =	simm.s32 $_size__tile_overlayer_lowered;
	s6 =	simm.s32 $_tile_overlayer_lowered  }
0x9b: {  	s22 =	simm.s32 $0x1BFF;
	s21 =	sshll.u32 s6, $0x1;
	s3 =	sadd.s32 s4, s19  }
0x9c: {  	s7 =	simm.s32 $0x0;
	s20 =	sshll.u32 s5, $0x1;
	s5 =	sadd.s32 s21, s3  }
0x9d: {  	[timem:s7], [sflag:s22] =	dma.local [hbm:s5], s20  }
0x9e: {  	_ =	swait.ge [sflag:s22], s20  }
0x9f: {  	s4 =	ssub.s32 $0x0, s20;
	[sflag:s22] =	ssyncset.done $0x0  }
0xa0: {  	[sflag:s22] =	ssyncadd.s32 s4;
	_ =	sdelay $0x1  }
0xa1: {  	s23 =	simm.s32 $0x1B8B  }
0xa2: {  	_ =	swait.ge [sflag:s23], $0x1  }
0xa3: {  	[sflag:s23] =	ssyncset.done $0x0  }
0xa4: {  	s25 =	simm.s32 $0x1B8E;
	s24 =	sld [smem:$0x3FFE];
	[sflag:s23] =	ssyncadd.s32 $0xFFFFFFFF  }
0xa5: {  	s26 =	simm.s32 $execute0_lowered;
	[smem:$0x3FD2] =	sst s25  }
0xa6: {  	s5 =	sshll.u32 s26, $0x1;
	_ =	strace $0x80000046;
	[dreg:$0x1] =	wrdreg $0xFFFFFFFF  }
0xa7: {  	s28 =	simm.s32 $_size_execute0_lowered;
	s3 =	sadd.s32 s3, s5;
	[dreg:$0x0] =	wrdreg $0x0  }
0xa8: {  	s5 =	sshll.u32 s28, $0x1;
	[dreg:$0x2] =	wrdreg s3  }
0xa9: {  	[dreg:$0x3] =	wrdreg s5  }
0xaa: {  	[dreg:$0x4] =	wrdreg $0xC0  }
0xab: {  	_ =	task [dreg:s7], $0x5FFFF  }
0xac: {  	[dreg:$0x1] =	wrdreg $0xFFFFFFFF  }
0xad: {  	[dreg:$0x0] =	wrdreg $0x60  }
0xae: {  	[dreg:$0x2] =	wrdreg s2  }
0xaf: {  	[dreg:$0x3] =	wrdreg s24  }
0xb0: {  	[dreg:$0x4] =	wrdreg $0xC4400  }
0xb1: {  	[dreg:$0x5] =	wrdreg $0x9  }
0xb2: {  	_ =	task.clear_ibuf [dreg:s7], $0x6FFFF;
	_ =	strace $0x90000046  }
0xb3: {  	s29 =	simm.s32 $0x9;
	_ =	strace $0x80000048  }
0xb4: {  	_ =	swait.ge [sflag:s29], $0x1  }
0xb5: {  	[sflag:s29] =	ssyncadd.s32 $0xFFFFFFFF  }
0xb6: {  	_ =	strace $0x90000048  }
0xb7: {  	_ =	sfence  }
0xb8: {  	s30 =	sld [smem:$0x0];
	_ =	sdelay $0x2  }
0xb9: {  	s31 =	sshll.u32 s1, $0xD;
	s1 =	sshrl.u32 s1, $0x2  }
0xba: {  	s3 =	sand.u32 $0x4000, s31;
	s1 =	sadd.s32 s1, s30  }
0xbb: {  	s0 =	sor.u32 s3, s0;
	s1 =	sshll.u32 s1, $0x11  }
0xbc: {  	s0 =	sor.u32 s1, s0  }
0xbd: {  	s0 =	sadd.s32 $0x8F2B, s0  }
0xbe: {  	[sflag:s0] =	ssyncadd.remote.s32 $0x1  }
0xbf: {  	_ =	sfence.sel $0xFFFF  }
0xc0: {  	[dreg:$0x0] =	wrdreg $0xFFFFFFFF;
	(pc) =	sbr.abs _section_cstart, $3  }
0xc1: {  	[dreg:$0x1] =	wrdreg $0xFFFFFFFF  }
0xc2: {  	_ =	task.clear_ibuf [dreg:s7], $0x2FFFF;
	_ =	strace $0x9FFFFFFF  }
0xc3: {  	(tm) =	ssettm $0x7FFFFFFF  }
tec
execute0_lowered:
.L_overlay_start_1:
0x0: {  	(tag) =	ssettag $0x1  }
0x1: {  	s7 =	rddreg [dreg:$0x0]  }
0x2: {  	s5 =	rddreg [dreg:$0x1]  }
0x3: {  	s2 =	rddreg [dreg:$0x2]  }
0x4: {  	s0 =	rddreg [dreg:$0x3];
	s3 =	simm.s32 $0x0;
	s1 =	stileid.u32  }
0x5: {  	s4 =	srdreg.scid;
	s15 =	simm.s32 $0x50;
	s16 =	simm.s32 $0x9C40  }
0x6: {  	s17 =	simm.s32 $0xB040;
	s18 =	simm.s32 $0x1;
	s19 =	simm.s32 $0x2  }
0x7: {  	s20 =	simm.s32 $0x4DD0;
	s21 =	simm.s32 $0x9BA0;
	s6 =	smul.u32 $0x9C4, s1  }
0x8: {  	s22 =	simm.s32 $0x9BF0;
	s25 =	simm.s32 $0x0;
	s10 =	smul.u32 $0x27000, s1  }
0x9: {  	[smem:$0x7FF] =	sst s3;
	s4 =	sand.u32 $0x1, s4;
	s31 =	smul.u32 $0x9C00, s1  }
0xa: {  	s12 =	sadd.s32 $0x92400, s2;
	p0 =	seq.s32 s1, $0xF;
	_ =	strace $0x80000047  }
0xb: {  	s8 =	smul.u32 $0x13880, s4;
	s9 =	ssub.s32 $0x2, s4;
	s4 =	sadd.s32 $0x15600, s5  }
0xc: {  	s13 =	sshll.u32 @!p0 s1, $0x6;
	s12 =	sshrl.u32 @p0 s12, $0x3;
	s6 =	sadd.s32 s6, s5  }
0xd: {  	s30 =	sshrl.u32 s9, $0x1;
	s10 =	sshrl.u32 s10, $0x2;
	s23 =	sshrl.u32 s31, $0x3  }
0xe: {  	s24 =	sadd.s32 s31, s2;
	s13 =	sor.u32 @!p0 $0x1C03, s13;
	s11 =	sadd.s32 s8, s5  }
0xf: {  	s9 =	ssub.s32 s9, s30;
	s5 =	sadd.s32 $0x1A00, s6;
	s6 =	sadd.s32 $0xB800, s6  }
0x10: {  	s14 =	sadd.s32 s10, s2;
	s7 =	sadd.s32 s7, s8;
	s10 =	simm.s32 $0x3  }
0x11: {  	s24 =	sshrl.u32 @!p0 s24, $0x3;
	s8 =	sadd.s32 $0x16A00, s11;
	s9 =	smax.u32 s9, $0x1  }
0x12: {  	s11 =	simm.s32 $0x4E20;
	s14 =	sshrl.u32 @!p0 s14, $0x3;
	s23 =	sadd.s32 @!p0 s23, s8  }
.LBB2_1:
0x13: {  	[tilespmem:s3], [sflag:$0x3] =	stream.linear.gather [hbm4b:s5+s3], $0x4E20, $0x38;
	[tilespmem:$0x16080] =	vst v63  }
0x14: {  	_ =	swait.ge [sflag:s10], $0x4E20  }
0x15: {  	[sflag:s10] =	ssyncset.done $0x0  }
0x16: {  	[sflag:s10] =	ssyncadd.s32 $0xFFFFB1E0  }
0x17: {  	[tilespmem:s11], [sflag:$0x3] =	stream.linear.gather [hbm4b:s6+s3], $0x4E20, $0x38;
	[tilespmem:$0x16080] =	vst v63  }
0x18: {  	_ =	swait.ge [sflag:s10], $0x4E20  }
0x19: {  	[sflag:s10] =	ssyncset.done $0x0  }
0x1a: {  	s26 =	simm.s32 @p0 $0x1FC3;
	[sflag:s10] =	ssyncadd.s32 $0xFFFFB1E0  }
0x1b: {  	[spmem:s12], [sflag:s26] =	dma.local @p0 [hbm:s4], $0x1400  }
0x1c: {  	s26 =	simm.s32 @p0 $0x3  }
0x1d: {  	_ =	swait.ge @p0 [sflag:s26], $0x1400  }
0x1e: {  	[sflag:s26] =	ssyncset.done @p0 $0x0  }
0x1f: {  	[sflag:s26] =	ssyncadd.s32 @p0 $0xFFFFEC00;
	s26 =	simm.s32 @!p0 $0x3  }
0x20: {  	[spmem:s14], [sflag:s13] =	dma.local @!p0 [hbm:s4], $0x1380  }
0x21: {  	_ =	swait.ge @!p0 [sflag:s26], $0x1380  }
0x22: {  	[sflag:s26] =	ssyncset.done @!p0 $0x0  }
0x23: {  	[sflag:s26] =	ssyncadd.s32 @!p0 $0xFFFFEC80  }
0x24: {  	[tilespmem:s16], [sflag:$0x1] =	stream.indirect.gather [hbm4b:s7+s15], $0x40, s3, s15, $0xb8;
	[tilespmem:$0x16080] =	vst v63  }
0x25: {  	s31 =	simm.s32 $0x50;
	[bflag:$0x0] =	sbarrier.arrive $0xFFFF  }
0x26: {  	[tilespmem:s17], [sflag:$0x2] =	stream.indirect.gather [hbm4b:s7+s15], $0x40, s31, s15, $0xb8;
	[tilespmem:$0x16080] =	vst v63  }
0x27: {  	_ =	swait.ge [sflag:s18], $0x1400  }
0x28: {  	[sflag:s18] =	ssyncset.done $0x0  }
0x29: {  	s29 =	simm.s32 $0x4E20;
	[sflag:s18] =	ssyncadd.s32 $0xFFFFEC00  }
0x2a: {  	[spmem:s2] =	stream.indirect.scatter.add.f32 [tilespmem:s16], [sflag:$0x3], $0x40, s29, s15, $0xb8;
	[tilespmem:$0x16080] =	vst v63  }
0x2b: {  	_ =	swait.ge [sflag:s10], $0x1400  }
0x2c: {  	[sflag:s10] =	ssyncset.done $0x0  }
0x2d: {  	s30 =	simm.s32 $0xA0;
	[sflag:s10] =	ssyncadd.s32 $0xFFFFEC00  }
0x2e: {  	[tilespmem:s16], [sflag:$0x1] =	stream.indirect.gather [hbm4b:s7+s15], $0x40, s30, s15, $0xb8;
	[tilespmem:$0x16080] =	vst v63  }
0x2f: {  	_ =	swait.ge [sflag:s19], $0x1400  }
0x30: {  	[sflag:s19] =	ssyncset.done $0x0  }
0x31: {  	s31 =	simm.s32 $0x4E70;
	[sflag:s19] =	ssyncadd.s32 $0xFFFFEC00  }
0x32: {  	[spmem:s2] =	stream.indirect.scatter.add.f32 [tilespmem:s17], [sflag:$0x3], $0x40, s31, s15, $0xb8;
	[tilespmem:$0x16080] =	vst v63  }
0x33: {  	_ =	swait.ge [sflag:s10], $0x1400  }
0x34: {  	s28 =	simm.s32 $0x500;
	s26 =	simm.s32 $0xA0;
	[sflag:s10] =	ssyncset.done $0x0  }
.LBB2_2:
0x35: {  	s29 =	sadd.s32 $0x50, s26  }
0x36: {  	[sflag:s10] =	ssyncadd.s32 $0xFFFFEC00;
	s30 =	smov.u32 s28;
	s31 =	sadd.s32 $0x280, s28  }
0x37: {  	[tilespmem:s17], [sflag:$0x2] =	stream.indirect.gather [hbm4b:s7+s15], $0x40, s29, s15, $0xb8;
	[tilespmem:$0x16080] =	vst v63  }
0x38: {  	p1 =	sne.s32 s28, $0x13380;
	_ =	swait.ge [sflag:s18], $0x1400  }
0x39: {  	[sflag:s18] =	ssyncset.done $0x0  }
0x3a: {  	s28 =	sadd.s32 $0x4E20, s26;
	[sflag:s18] =	ssyncadd.s32 $0xFFFFEC00  }
0x3b: {  	[spmem:s2] =	stream.indirect.scatter.add.f32 [tilespmem:s16], [sflag:$0x3], $0x40, s28, s15, $0xb8;
	[tilespmem:$0x16080] =	vst v63  }
0x3c: {  	_ =	swait.ge [sflag:s10], $0x1400  }
0x3d: {  	[sflag:s10] =	ssyncset.done $0x0  }
0x3e: {  	s28 =	sadd.s32 $0xA0, s26;
	[sflag:s10] =	ssyncadd.s32 $0xFFFFEC00  }
0x3f: {  	[tilespmem:s16], [sflag:$0x1] =	stream.indirect.gather [hbm4b:s7+s15], $0x40, s28, s15, $0xb8;
	[tilespmem:$0x16080] =	vst v63  }
0x40: {  	_ =	swait.ge [sflag:s19], $0x1400  }
.Ltmp0:
0x41: {  	[sflag:s19] =	ssyncset.done $0x0;
	(pc) =	sbr.rel @p1 .LBB2_2-.Ltmp0, $4  }
0x42: {  	s26 =	sadd.s32 $0x4E70, s26;
	[sflag:s19] =	ssyncadd.s32 $0xFFFFEC00  }
0x43: {  	[spmem:s2] =	stream.indirect.scatter.add.f32 [tilespmem:s17], [sflag:$0x3], $0x40, s26, s15, $0xb8;
	[tilespmem:$0x16080] =	vst v63  }
0x44: {  	_ =	swait.ge [sflag:s10], $0x1400  }
0x45: {  	s28 =	smov.u32 s31;
	s26 =	sshra.s32 s30, $0x2;
	[sflag:s10] =	ssyncset.done $0x0  }
0x46: {  	s28 =	sadd.s32 $0x50, s26;
	[sflag:s10] =	ssyncadd.s32 $0xFFFFEC00  }
0x47: {  	[tilespmem:s17], [sflag:$0x2] =	stream.indirect.gather [hbm4b:s7+s15], $0x40, s28, s15, $0xb8;
	[tilespmem:$0x16080] =	vst v63  }
0x48: {  	_ =	swait.ge [sflag:s18], $0x1400  }
0x49: {  	[sflag:s18] =	ssyncset.done $0x0  }
0x4a: {  	s29 =	sadd.s32 $0x4E20, s26;
	[sflag:s18] =	ssyncadd.s32 $0xFFFFEC00  }
0x4b: {  	[spmem:s2] =	stream.indirect.scatter.add.f32 [tilespmem:s16], [sflag:$0x3], $0x40, s29, s15, $0xb8;
	[tilespmem:$0x16080] =	vst v63  }
0x4c: {  	_ =	swait.ge [sflag:s10], $0x1400  }
0x4d: {  	[sflag:s10] =	ssyncset.done $0x0  }
0x4e: {  	s30 =	sadd.s32 $0xA0, s26;
	[sflag:s10] =	ssyncadd.s32 $0xFFFFEC00  }
0x4f: {  	[tilespmem:s16], [sflag:$0x1] =	stream.indirect.gather [hbm4b:s7+s15], $0x40, s30, s15, $0xb8;
	[tilespmem:$0x16080] =	vst v63  }
0x50: {  	_ =	swait.ge [sflag:s19], $0x1400  }
0x51: {  	[sflag:s19] =	ssyncset.done $0x0  }
0x52: {  	s31 =	sadd.s32 $0x4E70, s26;
	[sflag:s19] =	ssyncadd.s32 $0xFFFFEC00  }
0x53: {  	[spmem:s2] =	stream.indirect.scatter.add.f32 [tilespmem:s17], [sflag:$0x3], $0x40, s31, s15, $0xb8;
	[tilespmem:$0x16080] =	vst v63  }
0x54: {  	_ =	swait.ge [sflag:s10], $0x1400  }
0x55: {  	[sflag:s10] =	ssyncset.done $0x0  }
0x56: {  	[sflag:s10] =	ssyncadd.s32 $0xFFFFEC00  }
0x57: {  	[tilespmem:s17], [sflag:$0x2] =	stream.indirect.gather [hbm4b:s7+s15], $0x40, s20, s15, $0xb8;
	[tilespmem:$0x16080] =	vst v63  }
0x58: {  	_ =	swait.ge [sflag:s18], $0x1400  }
0x59: {  	[sflag:s18] =	ssyncset.done $0x0  }
0x5a: {  	[sflag:s18] =	ssyncadd.s32 $0xFFFFEC00  }
0x5b: {  	[spmem:s2] =	stream.indirect.scatter.add.f32 [tilespmem:s16], [sflag:$0x3], $0x40, s21, s15, $0xb8;
	[tilespmem:$0x16080] =	vst v63  }
0x5c: {  	_ =	swait.ge [sflag:s10], $0x1400  }
0x5d: {  	[sflag:s10] =	ssyncset.done $0x0  }
0x5e: {  	[sflag:s10] =	ssyncadd.s32 $0xFFFFEC00  }
0x5f: {  	_ =	swait.ge [sflag:s19], $0x1400  }
0x60: {  	[sflag:s19] =	ssyncset.done $0x0  }
0x61: {  	[sflag:s19] =	ssyncadd.s32 $0xFFFFEC00  }
0x62: {  	[spmem:s2] =	stream.indirect.scatter.add.f32 [tilespmem:s17], [sflag:$0x3], $0x40, s22, s15, $0xb8;
	[tilespmem:$0x16080] =	vst v63  }
0x63: {  	_ =	swait.ge [sflag:s10], $0x1400  }
0x64: {  	[sflag:s10] =	ssyncset.done $0x0  }
0x65: {  	[sflag:s10] =	ssyncadd.s32 $0xFFFFEC00  }
0x66: {  	s26 =	sadd.s32 @p0 $0x12480, s8;
	s28 =	simm.s32 @p0 $0x1FC3;
	[bflag:$0x0] =	sbarrier.arrive $0xFFFF  }
0x67: {  	[hbm:s26], [sflag:s28] =	dma.local @p0 [spmem:s12], $0x1400  }
0x68: {  	s26 =	simm.s32 @p0 $0x3  }
0x69: {  	s25 =	sadd.s32 $0x1, s25;
	_ =	swait.ge @p0 [sflag:s26], $0x1400  }
0x6a: {  	p1 =	sne.s32 s25, s9;
	[sflag:s26] =	ssyncset.done @p0 $0x0  }
.Ltmp1:
0x6b: {  	[sflag:s26] =	ssyncadd.s32 @p0 $0xFFFFEC00;
	s26 =	simm.s32 @!p0 $0x3;
	(pc) =	sbr.rel @p1 .LBB2_1-.Ltmp1, $4  }
0x6c: {  	[hbm:s23], [sflag:s13] =	dma.local @!p0 [spmem:s24], $0x1380  }
0x6d: {  	_ =	swait.ge @!p0 [sflag:s26], $0x1380  }
0x6e: {  	[sflag:s26] =	ssyncset.done @!p0 $0x0  }
0x6f: {  	[sflag:s26] =	ssyncadd.s32 @!p0 $0xFFFFEC80  }
0x70: {  	_ =	sfence.sel $0x180000  }
0x71: {  	[bflag:$0x0] =	sbarrier.arrive $0xFFFF  }
0x72: {  	p0 =	sne.s32 s1, $0x0;
	_ =	strace $0x90000047  }
0x73: {  	s0 =	sadd.s32 @!p0 $0x100000, s0;
	[bflag:$0x2] =	sbarrier.arrive $0xFFFF  }
0x74: {  	[sflag:s0] =	ssyncadd.tile.s32 @!p0 $0x1;
	_ =	shalt  }
.Lfunc_end2:
_tile_overlayer_lowered:
.L_overlay_start_2:
0x75: {  	(tag) =	ssettag $0x2  }
0x76: {  	s0 =	rddreg [dreg:$0x0];
	s2 =	stileid.u32  }
0x77: {  	s1 =	rddreg [dreg:$0x1];
	p0 =	sne.s32 s2, $0x0  }
0x78: {  	s3 =	rddreg [dreg:$0x2];
	[bflag:$0x3] =	sbarrier.arrive $0xFFFF;
	s2 =	simm.s32 @!p0 $0x1C03  }
0x79: {  	[timem:s3], [sflag:s2] =	dma.local @!p0 [hbm:s0], s1  }
0x7a: {  	s0 =	simm.s32 @!p0 $0x3  }
0x7b: {  	_ =	swait.ge @!p0 [sflag:s0], s1  }
0x7c: {  	s1 =	ssub.s32 @!p0 $0x0, s1;
	[sflag:s0] =	ssyncset.done @!p0 $0x0  }
0x7d: {  	[sflag:s0] =	ssyncadd.s32 @!p0 s1  }
0x7e: {  	[bflag:$0x3] =	sbarrier.arrive $0xFFFF  }
0x7f: {  	_ =	shalt  }

</sc_bundles>
